<compile_context>
chip_gen: v7x
topology: tpu7x:2x2x1
jax: 0.10.2.dev20260603
libtpu: 0.0.44.dev20260713+nightly
codegen_flags: <defaults>
</compile_context>

<pallas_src>
import functools

import jax
import jax.numpy as jnp
from jax import lax
from jax.experimental import pallas as pl
from jax.experimental.pallas import tpu as pltpu
from jax.experimental.pallas import tpu_sc as plsc

_NC = 2
_NS = 16
_NW = _NC * _NS

_B = 4 * 2048
_D = 1280
_S = 2048
_BPW = _S // _NW
_CHUNK = 16
_NCHUNK = _BPW // _CHUNK
_NBUF = 6

_V = 64
_R = 1024


def _table_body(emb_ref, w_ref, b_ref, out_ref):
    w_sum = w_ref[:, :512] + w_ref[:, 512:]
    acc = jax.lax.dot_general(
        emb_ref[:], w_sum,
        dimension_numbers=(((1,), (1,)), ((), ())),
        preferred_element_type=jnp.float32,
    )
    out_ref[:] = acc + b_ref[:]


def _compute_table(emb, w, b):
    emb_pad = jnp.zeros((_V, 512), jnp.float32).at[:33].set(emb)
    return pl.pallas_call(
        _table_body,
        out_shape=jax.ShapeDtypeStruct((_V, _D), jnp.float32),
    )(emb_pad, w, b.reshape(1, _D))


def _gather_body(tok_hbm, table_hbm, out_hbm, idx_v, bufs, gsems, wsems):
    wid = lax.axis_index("s") * _NC + lax.axis_index("c")
    base = wid * _BPW
    pltpu.sync_copy(tok_hbm.at[wid], idx_v)

    def issue(c):
        s = c % _NBUF
        return pltpu.async_copy(
            table_hbm.at[idx_v.at[c]], bufs[s], gsems[s])

    gathers = [None] * _NBUF
    writes = [None] * _NBUF
    for c in range(min(_NBUF - 1, _NCHUNK)):
        gathers[c % _NBUF] = issue(c)
    for c in range(_NCHUNK):
        s = c % _NBUF
        if gathers[s] is None:
            gathers[s] = issue(c)
        gathers[s].wait()
        writes[s] = pltpu.async_copy(
            bufs[s], out_hbm.at[pl.ds(base + c * _CHUNK, _CHUNK)], wsems[s])
        n = c + _NBUF - 1
        if n < _NCHUNK:
            s2 = n % _NBUF
            if writes[s2] is not None:
                writes[s2].wait()
            gathers[s2] = issue(n)
    for w in writes:
        if w is not None:
            w.wait()


_gather = functools.partial(
    pl.kernel,
    out_type=jax.ShapeDtypeStruct((_B, _D), jnp.float32),
    mesh=plsc.VectorSubcoreMesh(
        core_axis_name="c", subcore_axis_name="s",
        num_cores=_NC, num_subcores=_NS),
    scratch_types=[
        pltpu.VMEM((_NCHUNK, _CHUNK), jnp.int32),
        [pltpu.VMEM((_CHUNK, _D), jnp.float32) for _ in range(_NBUF)],
        [pltpu.SemaphoreType.DMA for _ in range(_NBUF)],
        [pltpu.SemaphoreType.DMA for _ in range(_NBUF)],
    ],
)(_gather_body)


def _expand_body(tok_ref, table_ref, alias_ref, out_ref):
    del alias_ref
    tok = tok_ref[0]
    oh = (tok[0, :, None] == lax.broadcasted_iota(jnp.int32, (1, _V), 1)
          ).astype(jnp.float32)
    out_ref[:] = jax.lax.dot_general(
        oh, table_ref[:],
        dimension_numbers=(((1,), (0,)), ((), ())),
        preferred_element_type=jnp.float32)


_expand = pl.pallas_call(
    _expand_body,
    grid=((_B - _S) // _R,),
    in_specs=[
        pl.BlockSpec((1, 1, _R), lambda i: (i, 0, 0)),
        pl.BlockSpec((_V, _D), lambda i: (0, 0)),
        pl.BlockSpec(memory_space=pl.ANY),
    ],
    out_specs=pl.BlockSpec((_R, _D), lambda i: (_S // _R + i, 0)),
    out_shape=jax.ShapeDtypeStruct((_B, _D), jnp.float32),
    input_output_aliases={2: 0},
)


def kernel(tokens, emb, W, b):
    table = _compute_table(emb, W, b)
    tok = tokens.astype(jnp.int32).reshape(-1)
    tok_lo = tok[:_S].reshape(_NW, _NCHUNK, _CHUNK)
    tok_hi = tok[_S:].reshape((_B - _S) // _R, 1, _R)
    partial = _gather(tok_lo, table)
    out = _expand(tok_hi, table, partial)
    return out.reshape(tokens.shape[0], tokens.shape[1], _D)

# --- scband reference (transcript-rebuilt; emitter-appended) ---
"""Pipeline reference for scband-pro-fam-encoder-1073741824246 (READ-ONLY COPY).

The authoritative reference and input builder live on the scoring server;
editing this copy changes nothing except your own understanding.
"""

import jax, jax.numpy as jnp
import numpy as np


def setup_inputs(seed: int = 0) -> dict:
    key = jax.random.key(seed)
    k1, k2, k3, k4 = jax.random.split(key, 4)
    tokens = jax.random.randint(k1, (4, 2048), 0, 33)
    emb = jax.random.normal(k2, (33, 512), dtype=jnp.float32)
    W = jax.random.normal(k3, (1280, 1024), dtype=jnp.float32) * (1024 ** -0.5)
    b = jax.random.normal(k4, (1280,), dtype=jnp.float32) * 0.01
    return {"tokens": tokens, "emb": emb, "W": W, "b": b}


def reference(tokens, emb, W, b):
    # fwd = embedding(tokens)
    fwd = jnp.take(emb, tokens, axis=0)
    # rev = flip(embedding(flip(tokens, dim=1)), dim=1)
    rev = jnp.flip(jnp.take(emb, jnp.flip(tokens, axis=1), axis=0), axis=1)
    h = jnp.concatenate([fwd, rev], axis=-1)
    # nn.Linear: y = h @ W.T + b
    return h @ W.T + b

if __name__ == "__main__":
    import jax
    _d = setup_inputs()
    print(jax.jit(kernel)(*tuple(_d.values())))

</pallas_src>

<mosaic_0001>
#map = affine_map<(d0, d1) -> (0, 0, 0)>
#map1 = affine_map<(d0, d1) -> (0, 0)>
module attributes {stable_mosaic.version = 14 : i64} {
  func.func @_gather_body(%arg0: i32, %arg1: i32, %arg2: memref<32x4x16xi32, #tpu.memory_space<hbm>>, %arg3: memref<64x1280xf32, #tpu.memory_space<hbm>>, %arg4: memref<8192x1280xf32, #tpu.memory_space<hbm>>, %arg5: memref<4x16xi32, #tpu.memory_space<vmem>>, %arg6: memref<16x1280xf32, #tpu.memory_space<vmem>>, %arg7: memref<16x1280xf32, #tpu.memory_space<vmem>>, %arg8: memref<16x1280xf32, #tpu.memory_space<vmem>>, %arg9: memref<16x1280xf32, #tpu.memory_space<vmem>>, %arg10: memref<16x1280xf32, #tpu.memory_space<vmem>>, %arg11: memref<16x1280xf32, #tpu.memory_space<vmem>>, %arg12: memref<!tpu.dma_semaphore, #tpu.memory_space<semaphore_mem>>, %arg13: memref<!tpu.dma_semaphore, #tpu.memory_space<semaphore_mem>>, %arg14: memref<!tpu.dma_semaphore, #tpu.memory_space<semaphore_mem>>, %arg15: memref<!tpu.dma_semaphore, #tpu.memory_space<semaphore_mem>>, %arg16: memref<!tpu.dma_semaphore, #tpu.memory_space<semaphore_mem>>, %arg17: memref<!tpu.dma_semaphore, #tpu.memory_space<semaphore_mem>>, %arg18: memref<!tpu.dma_semaphore, #tpu.memory_space<semaphore_mem>>, %arg19: memref<!tpu.dma_semaphore, #tpu.memory_space<semaphore_mem>>, %arg20: memref<!tpu.dma_semaphore, #tpu.memory_space<semaphore_mem>>, %arg21: memref<!tpu.dma_semaphore, #tpu.memory_space<semaphore_mem>>, %arg22: memref<!tpu.dma_semaphore, #tpu.memory_space<semaphore_mem>>, %arg23: memref<!tpu.dma_semaphore, #tpu.memory_space<semaphore_mem>>) attributes {dimension_semantics = [#tpu.dimension_semantics<core_parallel>, #tpu.dimension_semantics<subcore_parallel>], iteration_bounds = array<i64: 2, 16>, scalar_prefetch = 0 : i64, scratch_operands = 19 : i64, tpu.core_type = #tpu.core_type<sc_vector_subcore>, window_params = [{transform_indices = #map}, {transform_indices = #map1}, {transform_indices = #map1}]} {
    %mul3A = arith.constant 2 : i32
    %mul3A_0 = arith.muli %arg1, %mul3A : i32
    %add3A = arith.addi %mul3A_0, %arg0 : i32
    %mul3A_1 = arith.constant 64 : i32
    %mul3A_2 = arith.muli %add3A, %mul3A_1 : i32
    "tpu.region"() ({
      %run_scoped3A = tpu.sem_alloc : memref<!tpu.dma_semaphore, #tpu.memory_space<semaphore_mem>>
      %dma_start3A_97 = arith.constant 0 : i32
      %dma_start3A_98 = arith.constant 0 : i32
      %dma_start3A_99 = tpu.memref_slice %arg2[%add3A, %dma_start3A_97, %dma_start3A_98] : memref<32x4x16xi32, #tpu.memory_space<hbm>> -> memref<1x4x16xi32, #tpu.memory_space<hbm>>
      %dma_start3A_100 = tpu.memref_squeeze %dma_start3A_99 : memref<1x4x16xi32, #tpu.memory_space<hbm>> -> memref<4x16xi32, #tpu.memory_space<hbm>>
      %dma_start3A_101 = arith.constant 0 : i32
      %dma_start3A_102 = arith.constant 0 : i32
      %dma_start3A_103 = tpu.memref_slice %arg2[%add3A, %dma_start3A_101, %dma_start3A_102] : memref<32x4x16xi32, #tpu.memory_space<hbm>> -> memref<1x4x16xi32, #tpu.memory_space<hbm>>
      %dma_start3A_104 = tpu.memref_squeeze %dma_start3A_103 : memref<1x4x16xi32, #tpu.memory_space<hbm>> -> memref<4x16xi32, #tpu.memory_space<hbm>>
      tpu.enqueue_dma source(%dma_start3A_104 : memref<4x16xi32, #tpu.memory_space<hbm>>) target(%arg5 : memref<4x16xi32, #tpu.memory_space<vmem>>) target_semaphore(%run_scoped3A : memref<!tpu.dma_semaphore, #tpu.memory_space<semaphore_mem>>)
      %dma_wait3A_105 = arith.constant 0 : i32
      %dma_wait3A_106 = arith.constant 0 : i32
      %dma_wait3A_107 = tpu.memref_slice %arg2[%add3A, %dma_wait3A_105, %dma_wait3A_106] : memref<32x4x16xi32, #tpu.memory_space<hbm>> -> memref<1x4x16xi32, #tpu.memory_space<hbm>>
      %dma_wait3A_108 = tpu.memref_squeeze %dma_wait3A_107 : memref<1x4x16xi32, #tpu.memory_space<hbm>> -> memref<4x16xi32, #tpu.memory_space<hbm>>
      %dma_wait3A_109 = arith.constant 0 : i32
      %dma_wait3A_110 = arith.constant 0 : i32
      %dma_wait3A_111 = tpu.memref_slice %arg2[%add3A, %dma_wait3A_109, %dma_wait3A_110] : memref<32x4x16xi32, #tpu.memory_space<hbm>> -> memref<1x4x16xi32, #tpu.memory_space<hbm>>
      %dma_wait3A_112 = tpu.memref_squeeze %dma_wait3A_111 : memref<1x4x16xi32, #tpu.memory_space<hbm>> -> memref<4x16xi32, #tpu.memory_space<hbm>>
      tpu.wait_dma2 semaphore(%run_scoped3A : memref<!tpu.dma_semaphore, #tpu.memory_space<semaphore_mem>>) src(%dma_wait3A_112 : memref<4x16xi32, #tpu.memory_space<hbm>>) dst(%arg5 : memref<4x16xi32, #tpu.memory_space<vmem>>)
      tpu.yield
    }) : () -> ()
    %dma_start3A = arith.constant 0 : i32
    %dma_start3A_3 = arith.constant 0 : i32
    %dma_start3A_4 = tpu.memref_slice %arg5[%dma_start3A, %dma_start3A_3] : memref<4x16xi32, #tpu.memory_space<vmem>> -> memref<1x16xi32, #tpu.memory_space<vmem>>
    %dma_start3A_5 = tpu.memref_squeeze %dma_start3A_4 : memref<1x16xi32, #tpu.memory_space<vmem>> -> memref<16xi32, #tpu.memory_space<vmem>>
    %dma_start3A_6 = arith.constant 0 : i32
    %dma_start3A_7 = arith.constant 0 : i32
    %dma_start3A_8 = tpu.memref_slice %arg3[%dma_start3A_6, %dma_start3A_7] : memref<64x1280xf32, #tpu.memory_space<hbm>> -> memref<64x1280xf32, #tpu.memory_space<hbm>>
    tpu.enqueue_indirect_dma source(%dma_start3A_8 : memref<64x1280xf32, #tpu.memory_space<hbm>>) target(%arg6 : memref<16x1280xf32, #tpu.memory_space<vmem>>) offsets(%dma_start3A_5 : memref<16xi32, #tpu.memory_space<vmem>>) semaphore(%arg12 : memref<!tpu.dma_semaphore, #tpu.memory_space<semaphore_mem>>)
    %dma_start3A_9 = arith.constant 1 : i32
    %dma_start3A_10 = arith.constant 0 : i32
    %dma_start3A_11 = tpu.memref_slice %arg5[%dma_start3A_9, %dma_start3A_10] : memref<4x16xi32, #tpu.memory_space<vmem>> -> memref<1x16xi32, #tpu.memory_space<vmem>>
    %dma_start3A_12 = tpu.memref_squeeze %dma_start3A_11 : memref<1x16xi32, #tpu.memory_space<vmem>> -> memref<16xi32, #tpu.memory_space<vmem>>
    %dma_start3A_13 = arith.constant 0 : i32
    %dma_start3A_14 = arith.constant 0 : i32
    %dma_start3A_15 = tpu.memref_slice %arg3[%dma_start3A_13, %dma_start3A_14] : memref<64x1280xf32, #tpu.memory_space<hbm>> -> memref<64x1280xf32, #tpu.memory_space<hbm>>
    tpu.enqueue_indirect_dma source(%dma_start3A_15 : memref<64x1280xf32, #tpu.memory_space<hbm>>) target(%arg7 : memref<16x1280xf32, #tpu.memory_space<vmem>>) offsets(%dma_start3A_12 : memref<16xi32, #tpu.memory_space<vmem>>) semaphore(%arg13 : memref<!tpu.dma_semaphore, #tpu.memory_space<semaphore_mem>>)
    %dma_start3A_16 = arith.constant 2 : i32
    %dma_start3A_17 = arith.constant 0 : i32
    %dma_start3A_18 = tpu.memref_slice %arg5[%dma_start3A_16, %dma_start3A_17] : memref<4x16xi32, #tpu.memory_space<vmem>> -> memref<1x16xi32, #tpu.memory_space<vmem>>
    %dma_start3A_19 = tpu.memref_squeeze %dma_start3A_18 : memref<1x16xi32, #tpu.memory_space<vmem>> -> memref<16xi32, #tpu.memory_space<vmem>>
    %dma_start3A_20 = arith.constant 0 : i32
    %dma_start3A_21 = arith.constant 0 : i32
    %dma_start3A_22 = tpu.memref_slice %arg3[%dma_start3A_20, %dma_start3A_21] : memref<64x1280xf32, #tpu.memory_space<hbm>> -> memref<64x1280xf32, #tpu.memory_space<hbm>>
    tpu.enqueue_indirect_dma source(%dma_start3A_22 : memref<64x1280xf32, #tpu.memory_space<hbm>>) target(%arg8 : memref<16x1280xf32, #tpu.memory_space<vmem>>) offsets(%dma_start3A_19 : memref<16xi32, #tpu.memory_space<vmem>>) semaphore(%arg14 : memref<!tpu.dma_semaphore, #tpu.memory_space<semaphore_mem>>)
    %dma_start3A_23 = arith.constant 3 : i32
    %dma_start3A_24 = arith.constant 0 : i32
    %dma_start3A_25 = tpu.memref_slice %arg5[%dma_start3A_23, %dma_start3A_24] : memref<4x16xi32, #tpu.memory_space<vmem>> -> memref<1x16xi32, #tpu.memory_space<vmem>>
    %dma_start3A_26 = tpu.memref_squeeze %dma_start3A_25 : memref<1x16xi32, #tpu.memory_space<vmem>> -> memref<16xi32, #tpu.memory_space<vmem>>
    %dma_start3A_27 = arith.constant 0 : i32
    %dma_start3A_28 = arith.constant 0 : i32
    %dma_start3A_29 = tpu.memref_slice %arg3[%dma_start3A_27, %dma_start3A_28] : memref<64x1280xf32, #tpu.memory_space<hbm>> -> memref<64x1280xf32, #tpu.memory_space<hbm>>
    tpu.enqueue_indirect_dma source(%dma_start3A_29 : memref<64x1280xf32, #tpu.memory_space<hbm>>) target(%arg9 : memref<16x1280xf32, #tpu.memory_space<vmem>>) offsets(%dma_start3A_26 : memref<16xi32, #tpu.memory_space<vmem>>) semaphore(%arg15 : memref<!tpu.dma_semaphore, #tpu.memory_space<semaphore_mem>>)
    %dma_wait3A = arith.constant 0 : i32
    %dma_wait3A_30 = arith.constant 0 : i32
    %dma_wait3A_31 = tpu.memref_slice %arg5[%dma_wait3A, %dma_wait3A_30] : memref<4x16xi32, #tpu.memory_space<vmem>> -> memref<1x16xi32, #tpu.memory_space<vmem>>
    %dma_wait3A_32 = tpu.memref_squeeze %dma_wait3A_31 : memref<1x16xi32, #tpu.memory_space<vmem>> -> memref<16xi32, #tpu.memory_space<vmem>>
    %dma_wait3A_33 = arith.constant 0 : i32
    %dma_wait3A_34 = arith.constant 0 : i32
    %dma_wait3A_35 = tpu.memref_slice %arg3[%dma_wait3A_33, %dma_wait3A_34] : memref<64x1280xf32, #tpu.memory_space<hbm>> -> memref<64x1280xf32, #tpu.memory_space<hbm>>
    tpu.wait_indirect_dma semaphore(%arg12 : memref<!tpu.dma_semaphore, #tpu.memory_space<semaphore_mem>>) src(%dma_wait3A_35 : memref<64x1280xf32, #tpu.memory_space<hbm>>) dst(%arg6 : memref<16x1280xf32, #tpu.memory_space<vmem>>)
    %add3A_36 = arith.constant 0 : i32
    %add3A_37 = arith.addi %mul3A_2, %add3A_36 : i32
    %dma_start3A_38 = arith.constant 0 : i32
    %dma_start3A_39 = tpu.memref_slice %arg4[%add3A_37, %dma_start3A_38] : memref<8192x1280xf32, #tpu.memory_space<hbm>> -> memref<16x1280xf32, #tpu.memory_space<hbm>>
    %dma_start3A_40 = arith.constant 0 : i32
    %dma_start3A_41 = tpu.memref_slice %arg4[%add3A_37, %dma_start3A_40] : memref<8192x1280xf32, #tpu.memory_space<hbm>> -> memref<16x1280xf32, #tpu.memory_space<hbm>>
    tpu.enqueue_dma source(%arg6 : memref<16x1280xf32, #tpu.memory_space<vmem>>) target(%dma_start3A_41 : memref<16x1280xf32, #tpu.memory_space<hbm>>) target_semaphore(%arg18 : memref<!tpu.dma_semaphore, #tpu.memory_space<semaphore_mem>>)
    %dma_wait3A_42 = arith.constant 1 : i32
    %dma_wait3A_43 = arith.constant 0 : i32
    %dma_wait3A_44 = tpu.memref_slice %arg5[%dma_wait3A_42, %dma_wait3A_43] : memref<4x16xi32, #tpu.memory_space<vmem>> -> memref<1x16xi32, #tpu.memory_space<vmem>>
    %dma_wait3A_45 = tpu.memref_squeeze %dma_wait3A_44 : memref<1x16xi32, #tpu.memory_space<vmem>> -> memref<16xi32, #tpu.memory_space<vmem>>
    %dma_wait3A_46 = arith.constant 0 : i32
    %dma_wait3A_47 = arith.constant 0 : i32
    %dma_wait3A_48 = tpu.memref_slice %arg3[%dma_wait3A_46, %dma_wait3A_47] : memref<64x1280xf32, #tpu.memory_space<hbm>> -> memref<64x1280xf32, #tpu.memory_space<hbm>>
    tpu.wait_indirect_dma semaphore(%arg13 : memref<!tpu.dma_semaphore, #tpu.memory_space<semaphore_mem>>) src(%dma_wait3A_48 : memref<64x1280xf32, #tpu.memory_space<hbm>>) dst(%arg7 : memref<16x1280xf32, #tpu.memory_space<vmem>>)
    %add3A_49 = arith.constant 16 : i32
    %add3A_50 = arith.addi %mul3A_2, %add3A_49 : i32
    %dma_start3A_51 = arith.constant 0 : i32
    %dma_start3A_52 = tpu.memref_slice %arg4[%add3A_50, %dma_start3A_51] : memref<8192x1280xf32, #tpu.memory_space<hbm>> -> memref<16x1280xf32, #tpu.memory_space<hbm>>
    %dma_start3A_53 = arith.constant 0 : i32
    %dma_start3A_54 = tpu.memref_slice %arg4[%add3A_50, %dma_start3A_53] : memref<8192x1280xf32, #tpu.memory_space<hbm>> -> memref<16x1280xf32, #tpu.memory_space<hbm>>
    tpu.enqueue_dma source(%arg7 : memref<16x1280xf32, #tpu.memory_space<vmem>>) target(%dma_start3A_54 : memref<16x1280xf32, #tpu.memory_space<hbm>>) target_semaphore(%arg19 : memref<!tpu.dma_semaphore, #tpu.memory_space<semaphore_mem>>)
    %dma_wait3A_55 = arith.constant 2 : i32
    %dma_wait3A_56 = arith.constant 0 : i32
    %dma_wait3A_57 = tpu.memref_slice %arg5[%dma_wait3A_55, %dma_wait3A_56] : memref<4x16xi32, #tpu.memory_space<vmem>> -> memref<1x16xi32, #tpu.memory_space<vmem>>
    %dma_wait3A_58 = tpu.memref_squeeze %dma_wait3A_57 : memref<1x16xi32, #tpu.memory_space<vmem>> -> memref<16xi32, #tpu.memory_space<vmem>>
    %dma_wait3A_59 = arith.constant 0 : i32
    %dma_wait3A_60 = arith.constant 0 : i32
    %dma_wait3A_61 = tpu.memref_slice %arg3[%dma_wait3A_59, %dma_wait3A_60] : memref<64x1280xf32, #tpu.memory_space<hbm>> -> memref<64x1280xf32, #tpu.memory_space<hbm>>
    tpu.wait_indirect_dma semaphore(%arg14 : memref<!tpu.dma_semaphore, #tpu.memory_space<semaphore_mem>>) src(%dma_wait3A_61 : memref<64x1280xf32, #tpu.memory_space<hbm>>) dst(%arg8 : memref<16x1280xf32, #tpu.memory_space<vmem>>)
    %add3A_62 = arith.constant 32 : i32
    %add3A_63 = arith.addi %mul3A_2, %add3A_62 : i32
    %dma_start3A_64 = arith.constant 0 : i32
    %dma_start3A_65 = tpu.memref_slice %arg4[%add3A_63, %dma_start3A_64] : memref<8192x1280xf32, #tpu.memory_space<hbm>> -> memref<16x1280xf32, #tpu.memory_space<hbm>>
    %dma_start3A_66 = arith.constant 0 : i32
    %dma_start3A_67 = tpu.memref_slice %arg4[%add3A_63, %dma_start3A_66] : memref<8192x1280xf32, #tpu.memory_space<hbm>> -> memref<16x1280xf32, #tpu.memory_space<hbm>>
    tpu.enqueue_dma source(%arg8 : memref<16x1280xf32, #tpu.memory_space<vmem>>) target(%dma_start3A_67 : memref<16x1280xf32, #tpu.memory_space<hbm>>) target_semaphore(%arg20 : memref<!tpu.dma_semaphore, #tpu.memory_space<semaphore_mem>>)
    %dma_wait3A_68 = arith.constant 3 : i32
    %dma_wait3A_69 = arith.constant 0 : i32
    %dma_wait3A_70 = tpu.memref_slice %arg5[%dma_wait3A_68, %dma_wait3A_69] : memref<4x16xi32, #tpu.memory_space<vmem>> -> memref<1x16xi32, #tpu.memory_space<vmem>>
    %dma_wait3A_71 = tpu.memref_squeeze %dma_wait3A_70 : memref<1x16xi32, #tpu.memory_space<vmem>> -> memref<16xi32, #tpu.memory_space<vmem>>
    %dma_wait3A_72 = arith.constant 0 : i32
    %dma_wait3A_73 = arith.constant 0 : i32
    %dma_wait3A_74 = tpu.memref_slice %arg3[%dma_wait3A_72, %dma_wait3A_73] : memref<64x1280xf32, #tpu.memory_space<hbm>> -> memref<64x1280xf32, #tpu.memory_space<hbm>>
    tpu.wait_indirect_dma semaphore(%arg15 : memref<!tpu.dma_semaphore, #tpu.memory_space<semaphore_mem>>) src(%dma_wait3A_74 : memref<64x1280xf32, #tpu.memory_space<hbm>>) dst(%arg9 : memref<16x1280xf32, #tpu.memory_space<vmem>>)
    %add3A_75 = arith.constant 48 : i32
    %add3A_76 = arith.addi %mul3A_2, %add3A_75 : i32
    %dma_start3A_77 = arith.constant 0 : i32
    %dma_start3A_78 = tpu.memref_slice %arg4[%add3A_76, %dma_start3A_77] : memref<8192x1280xf32, #tpu.memory_space<hbm>> -> memref<16x1280xf32, #tpu.memory_space<hbm>>
    %dma_start3A_79 = arith.constant 0 : i32
    %dma_start3A_80 = tpu.memref_slice %arg4[%add3A_76, %dma_start3A_79] : memref<8192x1280xf32, #tpu.memory_space<hbm>> -> memref<16x1280xf32, #tpu.memory_space<hbm>>
    tpu.enqueue_dma source(%arg9 : memref<16x1280xf32, #tpu.memory_space<vmem>>) target(%dma_start3A_80 : memref<16x1280xf32, #tpu.memory_space<hbm>>) target_semaphore(%arg21 : memref<!tpu.dma_semaphore, #tpu.memory_space<semaphore_mem>>)
    %dma_wait3A_81 = arith.constant 0 : i32
    %dma_wait3A_82 = tpu.memref_slice %arg4[%add3A_37, %dma_wait3A_81] : memref<8192x1280xf32, #tpu.memory_space<hbm>> -> memref<16x1280xf32, #tpu.memory_space<hbm>>
    %dma_wait3A_83 = arith.constant 0 : i32
    %dma_wait3A_84 = tpu.memref_slice %arg4[%add3A_37, %dma_wait3A_83] : memref<8192x1280xf32, #tpu.memory_space<hbm>> -> memref<16x1280xf32, #tpu.memory_space<hbm>>
    tpu.wait_dma2 semaphore(%arg18 : memref<!tpu.dma_semaphore, #tpu.memory_space<semaphore_mem>>) src(%arg6 : memref<16x1280xf32, #tpu.memory_space<vmem>>) dst(%dma_wait3A_84 : memref<16x1280xf32, #tpu.memory_space<hbm>>)
    %dma_wait3A_85 = arith.constant 0 : i32
    %dma_wait3A_86 = tpu.memref_slice %arg4[%add3A_50, %dma_wait3A_85] : memref<8192x1280xf32, #tpu.memory_space<hbm>> -> memref<16x1280xf32, #tpu.memory_space<hbm>>
    %dma_wait3A_87 = arith.constant 0 : i32
    %dma_wait3A_88 = tpu.memref_slice %arg4[%add3A_50, %dma_wait3A_87] : memref<8192x1280xf32, #tpu.memory_space<hbm>> -> memref<16x1280xf32, #tpu.memory_space<hbm>>
    tpu.wait_dma2 semaphore(%arg19 : memref<!tpu.dma_semaphore, #tpu.memory_space<semaphore_mem>>) src(%arg7 : memref<16x1280xf32, #tpu.memory_space<vmem>>) dst(%dma_wait3A_88 : memref<16x1280xf32, #tpu.memory_space<hbm>>)
    %dma_wait3A_89 = arith.constant 0 : i32
    %dma_wait3A_90 = tpu.memref_slice %arg4[%add3A_63, %dma_wait3A_89] : memref<8192x1280xf32, #tpu.memory_space<hbm>> -> memref<16x1280xf32, #tpu.memory_space<hbm>>
    %dma_wait3A_91 = arith.constant 0 : i32
    %dma_wait3A_92 = tpu.memref_slice %arg4[%add3A_63, %dma_wait3A_91] : memref<8192x1280xf32, #tpu.memory_space<hbm>> -> memref<16x1280xf32, #tpu.memory_space<hbm>>
    tpu.wait_dma2 semaphore(%arg20 : memref<!tpu.dma_semaphore, #tpu.memory_space<semaphore_mem>>) src(%arg8 : memref<16x1280xf32, #tpu.memory_space<vmem>>) dst(%dma_wait3A_92 : memref<16x1280xf32, #tpu.memory_space<hbm>>)
    %dma_wait3A_93 = arith.constant 0 : i32
    %dma_wait3A_94 = tpu.memref_slice %arg4[%add3A_76, %dma_wait3A_93] : memref<8192x1280xf32, #tpu.memory_space<hbm>> -> memref<16x1280xf32, #tpu.memory_space<hbm>>
    %dma_wait3A_95 = arith.constant 0 : i32
    %dma_wait3A_96 = tpu.memref_slice %arg4[%add3A_76, %dma_wait3A_95] : memref<8192x1280xf32, #tpu.memory_space<hbm>> -> memref<16x1280xf32, #tpu.memory_space<hbm>>
    tpu.wait_dma2 semaphore(%arg21 : memref<!tpu.dma_semaphore, #tpu.memory_space<semaphore_mem>>) src(%arg9 : memref<16x1280xf32, #tpu.memory_space<vmem>>) dst(%dma_wait3A_96 : memref<16x1280xf32, #tpu.memory_space<hbm>>)
    return
  }
}

module attributes {stable_mosaic.version = 14 : i64} {
  func.func @_table_body(%arg0: memref<64x512xf32, #tpu.memory_space<vmem>>, %arg1: memref<1280x1024xf32, #tpu.memory_space<vmem>>, %arg2: memref<1x1280xf32, #tpu.memory_space<vmem>>, %arg3: memref<64x1280xf32, #tpu.memory_space<vmem>>) attributes {dimension_semantics = [], scalar_prefetch = 0 : i64, scratch_operands = 0 : i64, tpu.core_type = #tpu.core_type<tc>} {
    %get3A = arith.constant 0 : index
    %get3A_0 = arith.constant 0 : index
    %get3A_1 = vector.load %arg1[%get3A, %get3A_0] : memref<1280x1024xf32, #tpu.memory_space<vmem>>, vector<1280x512xf32>
    %get3A_2 = arith.constant 0 : index
    %get3A_3 = arith.constant 512 : index
    %get3A_4 = vector.load %arg1[%get3A_2, %get3A_3] : memref<1280x1024xf32, #tpu.memory_space<vmem>>, vector<1280x512xf32>
    %add3A = arith.addf %get3A_1, %get3A_4 : vector<1280x512xf32>
    %get3A_5 = arith.constant 0 : index
    %get3A_6 = arith.constant 0 : index
    %get3A_7 = vector.load %arg0[%get3A_5, %get3A_6] : memref<64x512xf32, #tpu.memory_space<vmem>>, vector<64x512xf32>
    %dot_general3A = arith.constant dense<0.000000e+00> : vector<64x1280xf32>
    %dot_general3A_8 = tpu.matmul %get3A_7, %add3A, %dot_general3A {dimension_numbers = #tpu.dot_dimension_numbers<[1], [1], [0], [0], [0, 0, 1, 0], [], []>, transpose_lhs_hint = false} : vector<64x512xf32>, vector<1280x512xf32>, vector<64x1280xf32> -> vector<64x1280xf32>
    %get3A_9 = arith.constant 0 : index
    %get3A_10 = arith.constant 0 : index
    %get3A_11 = vector.load %arg2[%get3A_9, %get3A_10] : memref<1x1280xf32, #tpu.memory_space<vmem>>, vector<1x1280xf32>
    %add3A_12 = vector.broadcast %get3A_11 : vector<1x1280xf32> to vector<64x1280xf32>
    %add3A_13 = arith.addf %dot_general3A_8, %add3A_12 : vector<64x1280xf32>
    %swap3A = arith.constant 0 : index
    %swap3A_14 = arith.constant 0 : index
    %swap3A_15 = vector.load %arg3[%swap3A, %swap3A_14] : memref<64x1280xf32, #tpu.memory_space<vmem>>, vector<64x1280xf32>
    tpu.vector_store %arg3[%swap3A, %swap3A_14], %add3A_13 {strides = array<i32>} : memref<64x1280xf32, #tpu.memory_space<vmem>>, vector<64x1280xf32>,
    return
  }
}

module attributes {stable_mosaic.version = 14 : i64} {
  func.func @_expand_body(%arg0: i32, %arg1: memref<1x1x1024xi32, #tpu.memory_space<vmem>>, %arg2: memref<64x1280xf32, #tpu.memory_space<vmem>>, %arg3: memref<8192x1280xf32, #tpu.memory_space<any>>, %arg4: memref<1024x1280xf32, #tpu.memory_space<vmem>>) attributes {dimension_semantics = [#tpu.dimension_semantics<arbitrary>], iteration_bounds = array<i64: 6>, scalar_prefetch = 0 : i64, scratch_operands = 0 : i64, tpu.core_type = #tpu.core_type<tc>, window_params = [{transform_indices = @transform_0, window_bounds = array<i64: 1, 1, 1024>}, {pipeline_mode = #tpu.pipeline_mode<synchronous>, transform_indices = @transform_1, window_bounds = array<i64: 64, 1280>}, {}, {transform_indices = @transform_3, window_bounds = array<i64: 1024, 1280>}]} {
    %get3A = arith.constant 0 : index
    %get3A_0 = arith.constant 0 : index
    %get3A_1 = arith.constant 0 : index
    %get3A_2 = vector.load %arg1[%get3A, %get3A_0, %get3A_1] : memref<1x1x1024xi32, #tpu.memory_space<vmem>>, vector<1x1x1024xi32>
    %get3A_3 = vector.shape_cast %get3A_2 : vector<1x1x1024xi32> to vector<1x1024xi32>
    %squeeze3A = vector.shape_cast %get3A_3 : vector<1x1024xi32> to vector<1024xi32>
    %broadcast_in_dim3A = vector.shape_cast %squeeze3A : vector<1024xi32> to vector<1024x1xi32>
    %iota3A = tpu.iota {dimensions = array<i32: 1>} : vector<1x64xi32>
    %eq3A = vector.broadcast %broadcast_in_dim3A : vector<1024x1xi32> to vector<1024x64xi32>
    %eq3A_4 = vector.broadcast %iota3A : vector<1x64xi32> to vector<1024x64xi32>
    %eq3A_5 = arith.cmpi eq, %eq3A, %eq3A_4 : vector<1024x64xi32>
    %convert_element_type3A = arith.extui %eq3A_5 : vector<1024x64xi1> to vector<1024x64xi32>
    %convert_element_type3A_6 = arith.sitofp %convert_element_type3A : vector<1024x64xi32> to vector<1024x64xf32>
    %get3A_7 = arith.constant 0 : index
    %get3A_8 = arith.constant 0 : index
    %get3A_9 = vector.load %arg2[%get3A_7, %get3A_8] : memref<64x1280xf32, #tpu.memory_space<vmem>>, vector<64x1280xf32>
    %dot_general3A = arith.constant dense<0.000000e+00> : vector<1024x1280xf32>
    %dot_general3A_10 = tpu.matmul %convert_element_type3A_6, %get3A_9, %dot_general3A {dimension_numbers = #tpu.dot_dimension_numbers<[1], [0], [0], [1], [0, 0, 1, 1], [], []>, transpose_lhs_hint = false} : vector<1024x64xf32>, vector<64x1280xf32>, vector<1024x1280xf32> -> vector<1024x1280xf32>
    %swap3A = arith.constant 0 : index
    %swap3A_11 = arith.constant 0 : index
    %swap3A_12 = vector.load %arg4[%swap3A, %swap3A_11] : memref<1024x1280xf32, #tpu.memory_space<vmem>>, vector<1024x1280xf32>
    tpu.vector_store %arg4[%swap3A, %swap3A_11], %dot_general3A_10 {strides = array<i32>} : memref<1024x1280xf32, #tpu.memory_space<vmem>>, vector<1024x1280xf32>,
    return
  }
  func.func @transform_0(%arg0: i32) -> (i32, i32, i32) {
    %c0_i32 = arith.constant 0 : i32
    %c0_i32_0 = arith.constant 0 : i32
    %c0_i32_1 = arith.constant 0 : i32
    return %arg0, %c0_i32, %c0_i32_0 : i32, i32, i32
  }
  func.func @transform_1(%arg0: i32) -> (i32, i32) {
    %c0_i32 = arith.constant 0 : i32
    %c0_i32_0 = arith.constant 0 : i32
    %c0_i32_1 = arith.constant 0 : i32
    return %c0_i32, %c0_i32_0 : i32, i32
  }
  func.func @transform_3(%arg0: i32) -> (i32, i32) {
    %add3A = arith.constant 2 : i32
    %add3A_0 = arith.addi %add3A, %arg0 : i32
    %c0_i32 = arith.constant 0 : i32
    %c0_i32_1 = arith.constant 0 : i32
    return %add3A_0, %c0_i32 : i32, i32
  }
}

</mosaic_0001>

<sc_bundles>
// kernel: kernel.5.cloned.1.call-start
scs
__scs_entry_jumppad:
0x0: {  	(pc) =	sbr.rel $0x88, $3  }
0x1: {  	(tag) =	ssettag $0x0;
	lr =	simm.s32 $0x1  }
0x2: {  	[smem:$0x3F9D] =	sst lr;
	_ =	strace $0xD0000000  }
0x3: {  	_ = 	snop  }
0x4: {  	_ = 	snop  }
0x5: {  	_ = 	snop  }
0x6: {  	_ = 	snop  }
0x7: {  	_ = 	snop  }
__scs_overlays_trampoline_lowered:
0x8: {  	[smem:$0x3FAC] =	sst s0  }
0x9: {  	[smem:$0x3FAD] =	sst s1  }
0xa: {  	[smem:$0x3FAE] =	sst s2  }
0xb: {  	[smem:$0x3FAF] =	sst s3  }
0xc: {  	[smem:$0x3FB0] =	sst s4  }
0xd: {  	[smem:$0x3FB1] =	sst s5  }
0xe: {  	[smem:$0x3FB2] =	sst s6  }
0xf: {  	[smem:$0x3FB3] =	sst s7  }
0x10: {  	[smem:$0x3FB4] =	sst s8  }
0x11: {  	[smem:$0x3FB5] =	sst s9;
	s0 =	simm.s32 @!p0 $0x0  }
0x12: {  	s1 =	sld [smem:$0x3F9B];
	s0 =	simm.s32 @p0 $0x1  }
0x13: {  	[smem:$0x3FB6] =	sst s0;
	s0 =	simm.s32 @!p1 $0x0  }
0x14: {  	s2 =	sld [smem:$0x3F9A];
	s0 =	simm.s32 @p1 $0x1  }
0x15: {  	[smem:$0x3FB7] =	sst s0;
	s0 =	simm.s32 @!p2 $0x0  }
0x16: {  	s3 =	sld [smem:$0x3FDB];
	s0 =	simm.s32 @p2 $0x1  }
0x17: {  	s4 =	simm.s32 $0x1BF5;
	[smem:$0x3FB9] =	sst s0  }
0x18: {  	s0 =	sld [smem:$0x3F9C];
	_ =	swait.ge [sflag:s4], $0x0  }
0x19: {  	s7 =	sld [smem:$0x3F9D]  }
0x1a: {  	s8 =	sadd.s32 $0xFFFFE003, lr  }
0x1b: {  	s9 =	sadd.s32 $0xFFFFFEF7, lr;
	s5 =	simm.s32 $0xFFFFFFFF;
	p2 =	slt.u32 s8, $0xFFFFF086  }
0x1c: {  	p1 =	slt.u32 s9, $0xF7A;
	s5 =	simm.s32 @!p2 $0x0  }
0x1d: {  	s5 =	simm.s32 @p1 $0x1;
	p0 =	seq.s32 s7, s2  }
0x1e: {  	s7 =	smul.u32 @!p0 $0xF7A, s2;
	p2 =	seq.s32 @!p0 s5, $0x0  }
0x1f: {  	s9 =	smul.u32 $0xF7A, s1;
	s8 =	simm.s32 @!p0 $0x1BF5;
	p2 =	por !p2, p0  }
0x20: {  	[sflag:s8] =	ssyncset.s32 @!p0 $0xFFFFF086;
	s6 =	sadd.s32 @!p0 s3, s7;
	s7 =	simm.s32 @!p0 $0x108  }
0x21: {  	s3 =	sadd.s32 s3, s9;
	s6 =	sadd.s32 @!p0 $0x88, s6;
	s7 =	simm.s32 @p2 $0x1082  }
0x22: {  	[simem:s7], [sflag:s8] =	dma.local @!p0 [hbm:s6], $0xF7A  }
0x23: {  	s9 =	sor.u32 $0xD0000000, s2;
	s6 =	simm.s32 $0x108;
	_ =	swait.ge @!p0 [sflag:s8], $0x0  }
0x24: {  	s3 =	sadd.s32 $0x88, s3;
	s6 =	simm.s32 @!p1 $0x1082;
	[sflag:s4] =	ssyncset.s32 $0xFFFFF086  }
0x25: {  	[simem:s6], [sflag:s4] =	dma.local [hbm:s3], $0xF7A  }
0x26: {  	[smem:$0x3F9D] =	sst s1;
	(tag) =	ssettag s2;
	_ =	strace s9  }
0x27: {  	s1 =	sld [smem:$0x3FAD]  }
0x28: {  	s2 =	sld [smem:$0x3FAE]  }
0x29: {  	s4 =	sld [smem:$0x3FB0]  }
0x2a: {  	p0 =	seq.s32 s5, $0x0;
	s5 =	sld [smem:$0x3FB1]  }
0x2b: {  	s6 =	sld [smem:$0x3FB2]  }
0x2c: {  	s7 =	sld [smem:$0x3FB3]  }
0x2d: {  	s3 =	simm.s32 $0x108;
	s8 =	sld [smem:$0x3FB4]  }
0x2e: {  	s3 =	simm.s32 @!p0 $0x1082;
	s9 =	sld [smem:$0x3FB5]  }
0x2f: {  	lr =	sadd.s32 s0, s3;
	s0 =	sld [smem:$0x3FAC]  }
0x30: {  	s3 =	sld [smem:$0x3FAF]  }
0x31: {  	[smem:$0x3FB8] =	sst s10  }
0x32: {  	s10 =	sld [smem:$0x3FB6];
	_ =	sdelay $0x3  }
0x33: {  	p0 =	seq.s32 s10, $0x1;
	s10 =	sld [smem:$0x3FB8];
	_ =	sdelay $0x3  }
0x34: {  	[smem:$0x3FB8] =	sst s10  }
0x35: {  	s10 =	sld [smem:$0x3FB7];
	_ =	sdelay $0x3  }
0x36: {  	p1 =	seq.s32 s10, $0x1;
	s10 =	sld [smem:$0x3FB8];
	_ =	sdelay $0x3  }
0x37: {  	[smem:$0x3FB8] =	sst s10  }
0x38: {  	s10 =	sld [smem:$0x3FB9]  }
0x39: {  	_ = 	snop;
	(pc) =	sbr.ind lr, $3  }
0x3a: {  	_ = 	snop  }
0x3b: {  	_ = 	snop  }
0x3c: {  	p2 =	seq.s32 s10, $0x1;
	s10 =	sld [smem:$0x3FB8]  }
0x3d: {  	_ =	shalt  }
0x3e: {  	_ =	shalt  }
0x3f: {  	_ =	shalt  }
0x40: {  	_ =	shalt  }
0x41: {  	_ =	shalt  }
0x42: {  	_ =	shalt  }
0x43: {  	_ =	shalt  }
0x44: {  	_ =	shalt  }
0x45: {  	_ =	shalt  }
0x46: {  	_ =	shalt  }
0x47: {  	_ =	shalt  }
0x48: {  	_ =	shalt  }
0x49: {  	_ =	shalt  }
0x4a: {  	_ =	shalt  }
0x4b: {  	_ =	shalt  }
0x4c: {  	_ =	shalt  }
0x4d: {  	_ =	shalt  }
0x4e: {  	_ =	shalt  }
0x4f: {  	_ =	shalt  }
0x50: {  	_ =	shalt  }
0x51: {  	_ =	shalt  }
0x52: {  	_ =	shalt  }
0x53: {  	_ =	shalt  }
0x54: {  	_ =	shalt  }
0x55: {  	_ =	shalt  }
0x56: {  	_ =	shalt  }
0x57: {  	_ =	shalt  }
0x58: {  	_ =	shalt  }
0x59: {  	_ =	shalt  }
0x5a: {  	_ =	shalt  }
0x5b: {  	_ =	shalt  }
0x5c: {  	_ =	shalt  }
0x5d: {  	_ =	shalt  }
0x5e: {  	_ =	shalt  }
0x5f: {  	_ =	shalt  }
0x60: {  	_ =	shalt  }
0x61: {  	_ =	shalt  }
0x62: {  	_ =	shalt  }
0x63: {  	_ =	shalt  }
0x64: {  	_ =	shalt  }
0x65: {  	_ =	shalt  }
0x66: {  	_ =	shalt  }
0x67: {  	_ =	shalt  }
0x68: {  	_ =	shalt  }
0x69: {  	_ =	shalt  }
0x6a: {  	_ =	shalt  }
0x6b: {  	_ =	shalt  }
0x6c: {  	_ =	shalt  }
0x6d: {  	_ =	shalt  }
0x6e: {  	_ =	shalt  }
0x6f: {  	_ =	shalt  }
0x70: {  	_ =	shalt  }
0x71: {  	_ =	shalt  }
0x72: {  	_ =	shalt  }
0x73: {  	_ =	shalt  }
0x74: {  	_ =	shalt  }
0x75: {  	_ =	shalt  }
0x76: {  	_ =	shalt  }
0x77: {  	_ =	shalt  }
0x78: {  	_ =	shalt  }
0x79: {  	_ =	shalt  }
0x7a: {  	_ =	shalt  }
0x7b: {  	_ =	shalt  }
0x7c: {  	_ =	shalt  }
0x7d: {  	_ =	shalt  }
0x7e: {  	_ =	shalt  }
0x7f: {  	_ =	shalt  }
0x80: {  	_ =	shalt  }
0x81: {  	_ =	shalt  }
0x82: {  	_ =	shalt  }
0x83: {  	_ =	shalt  }
0x84: {  	_ =	shalt  }
0x85: {  	_ =	shalt  }
0x86: {  	_ =	shalt  }
0x87: {  	_ =	shalt  }
.Lfunc_end0:
.L_simem_size_0:
called_computation_lowered:
.L_overlay_start_0:
0x88: {  	s2 =	sld [smem:$0x3FD9]  }
0x89: {  	s3 =	sld [smem:$0x3FFE];
	_ =	sdelay $0x1  }
0x8a: {  	s1 =	srdreg.scid  }
0x8b: {  	s0 =	sand.u32 $0x1, s1  }
0x8c: {  	s17 =	sshll.u32 s0, $0xA;
	s2 =	sadd.s32 s3, s2  }
0x8d: {  	s2 =	sadd.s32 s2, s17  }
0x8e: {  	[smem:$0x3FC4] =	sst s2  }
0x8f: {  	_ = 	snop  }
0x90: {  	s2 =	sld [smem:$0x3FD0];
	(tm) =	ssettm $0x1  }
0x91: {  	s18 =	sld [smem:$0x3FFB];
	_ =	sdelay $0x3  }
0x92: {  	_ =	strace s18  }
0x93: {  	s3 =	sld [smem:$0x3FFC];
	_ =	sdelay $0x3  }
0x94: {  	_ =	strace s3  }
0x95: {  	s3 =	sld [smem:$0x3FFD];
	_ =	sdelay $0x3  }
0x96: {  	_ =	strace s3  }
0x97: {  	_ =	strace $0x8FFFFFFF  }
0x98: {  	s19 =	sld [smem:$0x3FDB];
	_ =	sdelay $0x1  }
0x99: {  	s4 =	simm.s32 $_scs_section_size  }
0x9a: {  	s5 =	simm.s32 $_size__tile_overlayer_lowered;
	s6 =	simm.s32 $_tile_overlayer_lowered  }
0x9b: {  	s22 =	simm.s32 $0x1BFF;
	s21 =	sshll.u32 s6, $0x1;
	s3 =	sadd.s32 s4, s19  }
0x9c: {  	s7 =	simm.s32 $0x0;
	s20 =	sshll.u32 s5, $0x1;
	s5 =	sadd.s32 s21, s3  }
0x9d: {  	[timem:s7], [sflag:s22] =	dma.local [hbm:s5], s20  }
0x9e: {  	_ =	swait.ge [sflag:s22], s20  }
0x9f: {  	s4 =	ssub.s32 $0x0, s20;
	[sflag:s22] =	ssyncset.done $0x0  }
0xa0: {  	[sflag:s22] =	ssyncadd.s32 s4;
	_ =	sdelay $0x1  }
0xa1: {  	s23 =	simm.s32 $0x1B8B  }
0xa2: {  	_ =	swait.ge [sflag:s23], $0x1  }
0xa3: {  	[sflag:s23] =	ssyncset.done $0x0  }
0xa4: {  	s25 =	simm.s32 $0x1B8E;
	s24 =	sld [smem:$0x3FFE];
	[sflag:s23] =	ssyncadd.s32 $0xFFFFFFFF  }
0xa5: {  	s26 =	simm.s32 $execute0_lowered;
	[smem:$0x3FD2] =	sst s25  }
0xa6: {  	s5 =	sshll.u32 s26, $0x1;
	_ =	strace $0x80000046;
	[dreg:$0x1] =	wrdreg $0xFFFFFFFF  }
0xa7: {  	s28 =	simm.s32 $_size_execute0_lowered;
	s3 =	sadd.s32 s3, s5;
	[dreg:$0x0] =	wrdreg $0x0  }
0xa8: {  	s5 =	sshll.u32 s28, $0x1;
	[dreg:$0x2] =	wrdreg s3  }
0xa9: {  	[dreg:$0x3] =	wrdreg s5  }
0xaa: {  	[dreg:$0x4] =	wrdreg $0xC0  }
0xab: {  	_ =	task [dreg:s7], $0x5FFFF  }
0xac: {  	[dreg:$0x1] =	wrdreg $0xFFFFFFFF  }
0xad: {  	[dreg:$0x0] =	wrdreg $0x60  }
0xae: {  	[dreg:$0x2] =	wrdreg s24  }
0xaf: {  	[dreg:$0x3] =	wrdreg s2  }
0xb0: {  	[dreg:$0x4] =	wrdreg $0x9  }
0xb1: {  	_ =	task.clear_ibuf [dreg:s7], $0x5FFFF;
	_ =	strace $0x90000046  }
0xb2: {  	s29 =	simm.s32 $0x9;
	_ =	strace $0x80000048  }
0xb3: {  	_ =	swait.ge [sflag:s29], $0x1  }
0xb4: {  	[sflag:s29] =	ssyncadd.s32 $0xFFFFFFFF  }
0xb5: {  	_ =	strace $0x90000048  }
0xb6: {  	_ =	sfence  }
0xb7: {  	s30 =	sld [smem:$0x0];
	_ =	sdelay $0x2  }
0xb8: {  	s31 =	sshll.u32 s1, $0xD;
	s1 =	sshrl.u32 s1, $0x2  }
0xb9: {  	s3 =	sand.u32 $0x4000, s31;
	s1 =	sadd.s32 s1, s30  }
0xba: {  	s0 =	sor.u32 s3, s0;
	s1 =	sshll.u32 s1, $0x11  }
0xbb: {  	s0 =	sor.u32 s1, s0  }
0xbc: {  	s0 =	sadd.s32 $0x8F2B, s0  }
0xbd: {  	[sflag:s0] =	ssyncadd.remote.s32 $0x1  }
0xbe: {  	_ =	sfence.sel $0xFFFF  }
0xbf: {  	[dreg:$0x0] =	wrdreg $0xFFFFFFFF;
	(pc) =	sbr.abs _section_cstart, $3  }
0xc0: {  	[dreg:$0x1] =	wrdreg $0xFFFFFFFF  }
0xc1: {  	_ =	task.clear_ibuf [dreg:s7], $0x2FFFF;
	_ =	strace $0x9FFFFFFF  }
0xc2: {  	(tm) =	ssettm $0x7FFFFFFF  }
0xc3: {  	_ =	shalt  }
tec
execute0_lowered:
.L_overlay_start_1:
0x0: {  	(tag) =	ssettag $0x1  }
0x1: {  	s1 =	rddreg [dreg:$0x0];
	s2 =	srdreg.scid  }
0x2: {  	s3 =	rddreg [dreg:$0x1];
	s4 =	sand.u32 $0x1, s2;
	s2 =	simm.s32 $0x0  }
0x3: {  	s24 =	simm.s32 $0xA00;
	[smem:$0x7FF] =	sst s2  }
0x4: {  	s25 =	simm.s32 $0x1200;
	_ =	strace $0x80000047;
	[dreg:$0x8] =	wrdreg s24  }
0x5: {  	s0 =	stileid.u32;
	s26 =	simm.s32 $0x1A00;
	[dreg:$0x9] =	wrdreg s25  }
0x6: {  	s21 =	sshll.u32 s0, $0x1;
	s0 =	simm.s32 $0x2200;
	[dreg:$0xa] =	wrdreg s26  }
0x7: {  	s8 =	simm.s32 $0x4200;
	[dreg:$0xb] =	wrdreg s0  }
0x8: {  	s9 =	simm.s32 $0x4A00;
	[dreg:$0xf] =	wrdreg s8  }
0x9: {  	s10 =	simm.s32 $0x5A00;
	[dreg:$0x10] =	wrdreg s9  }
0xa: {  	s11 =	simm.s32 $0x6200;
	s12 =	simm.s32 $0x6A00;
	[dreg:$0x11] =	wrdreg s10  }
0xb: {  	s13 =	simm.s32 $0x7200;
	s14 =	simm.s32 $0x7A00;
	[dreg:$0x12] =	wrdreg s11  }
0xc: {  	s15 =	simm.s32 $0x8200;
	s16 =	simm.s32 $0x8A00;
	[dreg:$0x13] =	wrdreg s12  }
0xd: {  	s18 =	simm.s32 $0x9200;
	s19 =	simm.s32 $0x9A00;
	[dreg:$0x14] =	wrdreg s13  }
0xe: {  	s20 =	simm.s32 $0xAA00;
	s28 =	simm.s32 $0x4;
	[dreg:$0x15] =	wrdreg s14  }
0xf: {  	s29 =	simm.s32 $0x5;
	s30 =	simm.s32 $0x6;
	[dreg:$0x16] =	wrdreg s15  }
0x10: {  	s31 =	simm.s32 $0x7;
	s5 =	sor.u32 s4, s21;
	[dreg:$0x17] =	wrdreg s16  }
0x11: {  	s4 =	ssub.s32 $0x2, s4;
	s21 =	simm.s32 $0xB200;
	[dreg:$0x18] =	wrdreg s18  }
0x12: {  	s6 =	sshll.u32 s5, $0x6;
	s7 =	smul.u32 $0x14000, s5;
	[dreg:$0x19] =	wrdreg s19  }
0x13: {  	s5 =	smul.u32 $0x2800, s5;
	s17 =	sshrl.u32 s4, $0x1;
	[dreg:$0x1a] =	wrdreg s20  }
0x14: {  	[dreg:$0x1b] =	wrdreg s21;
	s9 =	simm.s32 $0xBA00;
	s24 =	simm.s32 $0xD200  }
0x15: {  	s10 =	simm.s32 $0x200;
	s25 =	simm.s32 $0xDA00;
	s11 =	simm.s32 $0x5200  }
0x16: {  	s26 =	simm.s32 $0xE200;
	s12 =	simm.s32 $0xA200;
	s14 =	simm.s32 $0xF200  }
0x17: {  	s15 =	simm.s32 $0xFA00;
	s16 =	simm.s32 $0x10200;
	s18 =	simm.s32 $0x11200  }
0x18: {  	s19 =	simm.s32 $0x11A00;
	s20 =	simm.s32 $0x12200;
	[dreg:$0x1c] =	wrdreg s9  }
0x19: {  	s21 =	simm.s32 $0x12A00;
	s6 =	sadd.s32 s6, s1;
	[dreg:$0x1f] =	wrdreg s24  }
0x1a: {  	s8 =	ssub.s32 s4, s17;
	s4 =	sadd.s32 $0x1100, s1;
	[smem:$0x7FC] =	sst s25  }
0x1b: {  	s9 =	simm.s32 $0x9;
	[smem:$0x7FD] =	sst s26;
	s17 =	simm.s32 $0x10A00  }
0x1c: {  	s24 =	simm.s32 $0x1;
	s25 =	simm.s32 $0x2;
	s6 =	sadd.s32 $0x800, s6  }
0x1d: {  	s26 =	simm.s32 $0x3;
	s5 =	sadd.s32 s3, s5;
	[dreg:$0x3] =	wrdreg s6  }
0x1e: {  	s7 =	sshrl.u32 s7, $0x3;
	[dreg:$0x4] =	wrdreg s5;
	s5 =	simm.s32 $0x2A00  }
0x1f: {  	s8 =	smax.u32 s8, $0x1;
	s6 =	simm.s32 $0x3200;
	[dreg:$0xc] =	wrdreg s5  }
0x20: {  	s3 =	sadd.s32 s3, s7;
	s7 =	simm.s32 $0x3A00;
	[dreg:$0xd] =	wrdreg s6  }
0x21: {  	s22 =	sadd.s32 $0xA00, s3;
	s23 =	sadd.s32 $0x1400, s3;
	[dreg:$0xe] =	wrdreg s7  }
0x22: {  	s3 =	sadd.s32 $0x1E00, s3;
	s5 =	sadd.s32 $0x1200, s1;
	[dreg:$0x5] =	wrdreg s22  }
0x23: {  	s6 =	sadd.s32 $0x1300, s1;
	s7 =	sadd.s32 $0x1400, s1;
	[dreg:$0x6] =	wrdreg s23  }
0x24: {  	v2 =	vlaneseq.u32;
	[dreg:$0x7] =	wrdreg s3;
	s3 =	sadd.s32 $0x1000, s1;
	s22 =	simm.s32 $0xC200  }
0x25: {  	vm0 =	vmmov $0xffff;
	v1 =	vshrl.u32 v2, $0x3;
	s23 =	simm.s32 $0xCA00;
	s1 =	simm.s32 $0x8;
	[dreg:$0x1d] =	wrdreg s22  }
0x26: {  	v0 =	vand.u32 $0x7, v2;
	v2 =	vor.u32 $0x8, v2;
	v1 =	vmul.u32 $0x8, v1;
	[dreg:$0x1e] =	wrdreg s23;
	s22 =	simm.s32 $0x13200;
	s23 =	simm.s32 $0x13A00  }
.LBB2_1:
0x27: {  	s0 =	rddreg [dreg:$0x3]  }
0x28: {  	[tilespmem:s2], [sflag:$0x9] =	stream.linear.gather [hbm4b:s0+s2], $0x200, $0x38;
	[tilespmem:$0x14200] =	vst v63  }
0x29: {  	_ =	swait.ge [sflag:s9], $0x200  }
0x2a: {  	[sflag:s9] =	ssyncset.done $0x0  }
0x2b: {  	[sflag:s9] =	ssyncadd.s32 $0xFFFFFE00  }
0x2c: {  	v3 =	vld [tilespmem:$0x0];
	_ =	sdelay $0x4  }
0x2d: {  	v4 =	vshrl.u32 v3, $0x3  }
0x2e: {  	v4 =	vmul.u32 $0x50, v4  }
0x2f: {  	v3 =	vand.u32 $0x7, v3  }
0x30: {  	v3 =	vor.u32 v3, v4  }
0x31: {  	v4 =	vperm.xlane v3, v0;
	_ =	sdelay $0x1  }
0x32: {  	v4 =	vadd.s32 v1, v4;
	_ =	sdelay $0x4  }
0x33: {  	[tilespmem:s10], [sflag:$0x1] =	stream.indirect_vreg.gather [hbm4b:s3+s2], $0x80, v4, vm0, $0xb8;
	[tilespmem:$0x14200] =	vst v63  }
0x34: {  	s0 =	rddreg [dreg:$0x8]  }
0x35: {  	[tilespmem:s0], [sflag:$0x1] =	stream.indirect_vreg.gather [hbm4b:s4+s2], $0x80, v4, vm0, $0xb8;
	[tilespmem:$0x14200] =	vst v63  }
0x36: {  	s13 =	rddreg [dreg:$0x9];
	v3 =	vperm.xlane v3, v2  }
0x37: {  	[tilespmem:s13], [sflag:$0x1] =	stream.indirect_vreg.gather [hbm4b:s5+s2], $0x80, v4, vm0, $0xb8;
	[tilespmem:$0x14200] =	vst v63  }
0x38: {  	v3 =	vadd.s32 v1, v3;
	s0 =	rddreg [dreg:$0xa]  }
0x39: {  	[tilespmem:s0], [sflag:$0x1] =	stream.indirect_vreg.gather [hbm4b:s6+s2], $0x80, v4, vm0, $0xb8;
	[tilespmem:$0x14200] =	vst v63  }
0x3a: {  	s13 =	rddreg [dreg:$0xb]  }
0x3b: {  	[tilespmem:s13], [sflag:$0x1] =	stream.indirect_vreg.gather [hbm4b:s7+s2], $0x80, v4, vm0, $0xb8;
	[tilespmem:$0x14200] =	vst v63  }
0x3c: {  	s0 =	rddreg [dreg:$0xc]  }
0x3d: {  	[tilespmem:s0], [sflag:$0x1] =	stream.indirect_vreg.gather [hbm4b:s3+s2], $0x80, v3, vm0, $0xb8;
	[tilespmem:$0x14200] =	vst v63  }
0x3e: {  	s13 =	rddreg [dreg:$0xd]  }
0x3f: {  	[tilespmem:s13], [sflag:$0x1] =	stream.indirect_vreg.gather [hbm4b:s4+s2], $0x80, v3, vm0, $0xb8;
	[tilespmem:$0x14200] =	vst v63  }
0x40: {  	s0 =	rddreg [dreg:$0xe]  }
0x41: {  	[tilespmem:s0], [sflag:$0x1] =	stream.indirect_vreg.gather [hbm4b:s5+s2], $0x80, v3, vm0, $0xb8;
	[tilespmem:$0x14200] =	vst v63  }
0x42: {  	s13 =	rddreg [dreg:$0xf]  }
0x43: {  	[tilespmem:s13], [sflag:$0x1] =	stream.indirect_vreg.gather [hbm4b:s6+s2], $0x80, v3, vm0, $0xb8;
	[tilespmem:$0x14200] =	vst v63  }
0x44: {  	s0 =	rddreg [dreg:$0x10]  }
0x45: {  	[tilespmem:s0], [sflag:$0x1] =	stream.indirect_vreg.gather [hbm4b:s7+s2], $0x80, v3, vm0, $0xb8;
	[tilespmem:$0x14200] =	vst v63  }
0x46: {  	v3 =	vld [tilespmem:$0x80];
	_ =	sdelay $0x4  }
0x47: {  	v61 =	vshrl.u32 v3, $0x3  }
0x48: {  	v4 =	vmul.u32 $0x50, v61  }
0x49: {  	v3 =	vand.u32 $0x7, v3  }
0x4a: {  	v3 =	vor.u32 v3, v4  }
0x4b: {  	v4 =	vperm.xlane v3, v0;
	_ =	sdelay $0x1  }
0x4c: {  	v4 =	vadd.s32 v1, v4;
	_ =	sdelay $0x4  }
0x4d: {  	[tilespmem:s11], [sflag:$0x2] =	stream.indirect_vreg.gather [hbm4b:s3+s2], $0x80, v4, vm0, $0xb8;
	[tilespmem:$0x14200] =	vst v63  }
0x4e: {  	s0 =	rddreg [dreg:$0x11]  }
0x4f: {  	[tilespmem:s0], [sflag:$0x2] =	stream.indirect_vreg.gather [hbm4b:s4+s2], $0x80, v4, vm0, $0xb8;
	[tilespmem:$0x14200] =	vst v63  }
0x50: {  	s13 =	rddreg [dreg:$0x12];
	v3 =	vperm.xlane v3, v2  }
0x51: {  	[tilespmem:s13], [sflag:$0x2] =	stream.indirect_vreg.gather [hbm4b:s5+s2], $0x80, v4, vm0, $0xb8;
	[tilespmem:$0x14200] =	vst v63  }
0x52: {  	v3 =	vadd.s32 v1, v3;
	s0 =	rddreg [dreg:$0x13]  }
0x53: {  	[tilespmem:s0], [sflag:$0x2] =	stream.indirect_vreg.gather [hbm4b:s6+s2], $0x80, v4, vm0, $0xb8;
	[tilespmem:$0x14200] =	vst v63  }
0x54: {  	s13 =	rddreg [dreg:$0x14]  }
0x55: {  	[tilespmem:s13], [sflag:$0x2] =	stream.indirect_vreg.gather [hbm4b:s7+s2], $0x80, v4, vm0, $0xb8;
	[tilespmem:$0x14200] =	vst v63  }
0x56: {  	s0 =	rddreg [dreg:$0x15]  }
0x57: {  	[tilespmem:s0], [sflag:$0x2] =	stream.indirect_vreg.gather [hbm4b:s3+s2], $0x80, v3, vm0, $0xb8;
	[tilespmem:$0x14200] =	vst v63  }
0x58: {  	s13 =	rddreg [dreg:$0x16]  }
0x59: {  	[tilespmem:s13], [sflag:$0x2] =	stream.indirect_vreg.gather [hbm4b:s4+s2], $0x80, v3, vm0, $0xb8;
	[tilespmem:$0x14200] =	vst v63  }
0x5a: {  	s0 =	rddreg [dreg:$0x17]  }
0x5b: {  	[tilespmem:s0], [sflag:$0x2] =	stream.indirect_vreg.gather [hbm4b:s5+s2], $0x80, v3, vm0, $0xb8;
	[tilespmem:$0x14200] =	vst v63  }
0x5c: {  	s13 =	rddreg [dreg:$0x18]  }
0x5d: {  	[tilespmem:s13], [sflag:$0x2] =	stream.indirect_vreg.gather [hbm4b:s6+s2], $0x80, v3, vm0, $0xb8;
	[tilespmem:$0x14200] =	vst v63  }
0x5e: {  	s0 =	rddreg [dreg:$0x19]  }
0x5f: {  	[tilespmem:s0], [sflag:$0x2] =	stream.indirect_vreg.gather [hbm4b:s7+s2], $0x80, v3, vm0, $0xb8;
	[tilespmem:$0x14200] =	vst v63  }
0x60: {  	v3 =	vld [tilespmem:$0x100];
	_ =	sdelay $0x4  }
0x61: {  	v62 =	vshrl.u32 v3, $0x3  }
0x62: {  	v4 =	vmul.u32 $0x50, v62  }
0x63: {  	v3 =	vand.u32 $0x7, v3  }
0x64: {  	v3 =	vor.u32 v3, v4  }
0x65: {  	v4 =	vperm.xlane v3, v0;
	_ =	sdelay $0x1  }
0x66: {  	v4 =	vadd.s32 v1, v4;
	_ =	sdelay $0x3  }
0x67: {  	s13 =	rddreg [dreg:$0x1b]  }
0x68: {  	[tilespmem:s12], [sflag:$0x3] =	stream.indirect_vreg.gather [hbm4b:s3+s2], $0x80, v4, vm0, $0xb8;
	[tilespmem:$0x14200] =	vst v63  }
0x69: {  	s0 =	rddreg [dreg:$0x1a]  }
0x6a: {  	[tilespmem:s0], [sflag:$0x3] =	stream.indirect_vreg.gather [hbm4b:s4+s2], $0x80, v4, vm0, $0xb8;
	[tilespmem:$0x14200] =	vst v63  }
0x6b: {  	v3 =	vperm.xlane v3, v2;
	s0 =	rddreg [dreg:$0x1c]  }
0x6c: {  	[tilespmem:s13], [sflag:$0x3] =	stream.indirect_vreg.gather [hbm4b:s5+s2], $0x80, v4, vm0, $0xb8;
	[tilespmem:$0x14200] =	vst v63  }
0x6d: {  	v3 =	vadd.s32 v1, v3;
	s13 =	rddreg [dreg:$0x1d]  }
0x6e: {  	[tilespmem:s0], [sflag:$0x3] =	stream.indirect_vreg.gather [hbm4b:s6+s2], $0x80, v4, vm0, $0xb8;
	[tilespmem:$0x14200] =	vst v63  }
0x6f: {  	s0 =	rddreg [dreg:$0x1e]  }
0x70: {  	[tilespmem:s13], [sflag:$0x3] =	stream.indirect_vreg.gather [hbm4b:s7+s2], $0x80, v4, vm0, $0xb8;
	[tilespmem:$0x14200] =	vst v63  }
0x71: {  	s13 =	rddreg [dreg:$0x1f]  }
0x72: {  	[tilespmem:s0], [sflag:$0x3] =	stream.indirect_vreg.gather [hbm4b:s3+s2], $0x80, v3, vm0, $0xb8;
	[tilespmem:$0x14200] =	vst v63  }
0x73: {  	s0 =	sld [smem:$0x7FC]  }
0x74: {  	[tilespmem:s13], [sflag:$0x3] =	stream.indirect_vreg.gather [hbm4b:s4+s2], $0x80, v3, vm0, $0xb8;
	[tilespmem:$0x14200] =	vst v63  }
0x75: {  	s13 =	sld [smem:$0x7FD]  }
0x76: {  	[tilespmem:s0], [sflag:$0x3] =	stream.indirect_vreg.gather [hbm4b:s5+s2], $0x80, v3, vm0, $0xb8;
	[tilespmem:$0x14200] =	vst v63  }
0x77: {  	_ = 	snop  }
0x78: {  	[tilespmem:s13], [sflag:$0x3] =	stream.indirect_vreg.gather [hbm4b:s6+s2], $0x80, v3, vm0, $0xb8;
	[tilespmem:$0x14200] =	vst v63  }
0x79: {  	s13 =	simm.s32 $0xEA00  }
0x7a: {  	[tilespmem:s13], [sflag:$0x3] =	stream.indirect_vreg.gather [hbm4b:s7+s2], $0x80, v3, vm0, $0xb8;
	[tilespmem:$0x14200] =	vst v63  }
0x7b: {  	v3 =	vld [tilespmem:$0x180];
	_ =	sdelay $0x4  }
0x7c: {  	v63 =	vshrl.u32 v3, $0x3  }
0x7d: {  	v4 =	vmul.u32 $0x50, v63  }
0x7e: {  	v3 =	vand.u32 $0x7, v3  }
0x7f: {  	v3 =	vor.u32 v3, v4  }
0x80: {  	v4 =	vperm.xlane v3, v0;
	_ =	sdelay $0x1  }
0x81: {  	v4 =	vadd.s32 v1, v4;
	_ =	sdelay $0x4  }
0x82: {  	[tilespmem:s14], [sflag:$0x4] =	stream.indirect_vreg.gather [hbm4b:s3+s2], $0x80, v4, vm0, $0xb8;
	[tilespmem:$0x14200] =	vst v63  }
0x83: {  	_ = 	snop  }
0x84: {  	[tilespmem:s15], [sflag:$0x4] =	stream.indirect_vreg.gather [hbm4b:s4+s2], $0x80, v4, vm0, $0xb8;
	[tilespmem:$0x14200] =	vst v63  }
0x85: {  	v3 =	vperm.xlane v3, v2  }
0x86: {  	[tilespmem:s16], [sflag:$0x4] =	stream.indirect_vreg.gather [hbm4b:s5+s2], $0x80, v4, vm0, $0xb8;
	[tilespmem:$0x14200] =	vst v63  }
0x87: {  	v3 =	vadd.s32 v1, v3  }
0x88: {  	[tilespmem:s17], [sflag:$0x4] =	stream.indirect_vreg.gather [hbm4b:s6+s2], $0x80, v4, vm0, $0xb8;
	[tilespmem:$0x14200] =	vst v63  }
0x89: {  	_ = 	snop  }
0x8a: {  	[tilespmem:s18], [sflag:$0x4] =	stream.indirect_vreg.gather [hbm4b:s7+s2], $0x80, v4, vm0, $0xb8;
	[tilespmem:$0x14200] =	vst v63  }
0x8b: {  	_ = 	snop  }
0x8c: {  	[tilespmem:s19], [sflag:$0x4] =	stream.indirect_vreg.gather [hbm4b:s3+s2], $0x80, v3, vm0, $0xb8;
	[tilespmem:$0x14200] =	vst v63  }
0x8d: {  	_ = 	snop  }
0x8e: {  	[tilespmem:s20], [sflag:$0x4] =	stream.indirect_vreg.gather [hbm4b:s4+s2], $0x80, v3, vm0, $0xb8;
	[tilespmem:$0x14200] =	vst v63  }
0x8f: {  	_ = 	snop  }
0x90: {  	[tilespmem:s21], [sflag:$0x4] =	stream.indirect_vreg.gather [hbm4b:s5+s2], $0x80, v3, vm0, $0xb8;
	[tilespmem:$0x14200] =	vst v63  }
0x91: {  	_ = 	snop  }
0x92: {  	[tilespmem:s22], [sflag:$0x4] =	stream.indirect_vreg.gather [hbm4b:s6+s2], $0x80, v3, vm0, $0xb8;
	[tilespmem:$0x14200] =	vst v63  }
0x93: {  	_ = 	snop  }
0x94: {  	[tilespmem:s23], [sflag:$0x4] =	stream.indirect_vreg.gather [hbm4b:s7+s2], $0x80, v3, vm0, $0xb8;
	[tilespmem:$0x14200] =	vst v63  }
0x95: {  	_ =	swait.ge [sflag:s24], $0x5000  }
0x96: {  	[sflag:s24] =	ssyncset.done $0x0  }
0x97: {  	s13 =	rddreg [dreg:$0x4];
	[sflag:s24] =	ssyncadd.s32 $0xFFFFB000  }
0x98: {  	[hbm4b:s13+s2] =	stream.linear.scatter [tilespmem:s10], [sflag:$0x5], $0x5000, $0x38;
	[tilespmem:$0x14200] =	vst v63  }
0x99: {  	_ =	swait.ge [sflag:s25], $0x5000  }
0x9a: {  	[sflag:s25] =	ssyncset.done $0x0  }
0x9b: {  	s13 =	rddreg [dreg:$0x5];
	[sflag:s25] =	ssyncadd.s32 $0xFFFFB000  }
0x9c: {  	[hbm4b:s13+s2] =	stream.linear.scatter [tilespmem:s11], [sflag:$0x6], $0x5000, $0x38;
	[tilespmem:$0x14200] =	vst v63  }
0x9d: {  	_ =	swait.ge [sflag:s26], $0x5000  }
0x9e: {  	[sflag:s26] =	ssyncset.done $0x0  }
0x9f: {  	s13 =	rddreg [dreg:$0x6];
	[sflag:s26] =	ssyncadd.s32 $0xFFFFB000  }
0xa0: {  	[hbm4b:s13+s2] =	stream.linear.scatter [tilespmem:s12], [sflag:$0x7], $0x5000, $0x38;
	[tilespmem:$0x14200] =	vst v63  }
0xa1: {  	_ =	swait.ge [sflag:s28], $0x5000  }
0xa2: {  	[sflag:s28] =	ssyncset.done $0x0  }
0xa3: {  	s13 =	rddreg [dreg:$0x7];
	[sflag:s28] =	ssyncadd.s32 $0xFFFFB000  }
0xa4: {  	[hbm4b:s13+s2] =	stream.linear.scatter [tilespmem:s14], [sflag:$0x8], $0x5000, $0x38;
	[tilespmem:$0x14200] =	vst v63  }
0xa5: {  	_ =	swait.ge [sflag:s29], $0x5000  }
0xa6: {  	[sflag:s29] =	ssyncset.done $0x0  }
0xa7: {  	[sflag:s29] =	ssyncadd.s32 $0xFFFFB000  }
0xa8: {  	_ =	swait.ge [sflag:s30], $0x5000  }
0xa9: {  	[sflag:s30] =	ssyncset.done $0x0  }
0xaa: {  	[sflag:s30] =	ssyncadd.s32 $0xFFFFB000  }
0xab: {  	p0 =	sne.s32 s8, $0x1;
	_ =	swait.ge [sflag:s31], $0x5000  }
.Ltmp0:
0xac: {  	[sflag:s31] =	ssyncset.done $0x0;
	(pc) =	sbr.rel @p0 .LBB2_1-.Ltmp0, $4  }
0xad: {  	[sflag:s31] =	ssyncadd.s32 $0xFFFFB000  }
0xae: {  	_ =	swait.ge [sflag:s1], $0x5000  }
0xaf: {  	[sflag:s1] =	ssyncset.done $0x0  }
0xb0: {  	s8 =	sadd.s32 $0xFFFFFFFF, s8;
	[sflag:s1] =	ssyncadd.s32 $0xFFFFB000  }
0xb1: {  	_ =	sfence.sel $0x180000  }
0xb2: {  	[bflag:$0x0] =	sbarrier.arrive $0xFFFF  }
0xb3: {  	_ =	strace $0x90000047  }
0xb4: {  	s0 =	stileid.u32;
	[bflag:$0x2] =	sbarrier.arrive $0xFFFF  }
0xb5: {  	p0 =	sne.s32 s0, $0x0;
	s0 =	rddreg [dreg:$0x2]  }
0xb6: {  	s0 =	sadd.s32 @!p0 $0x100000, s0  }
0xb7: {  	[sflag:s0] =	ssyncadd.tile.s32 @!p0 $0x1;
	_ =	shalt  }
.Lfunc_end2:
_tile_overlayer_lowered:
.L_overlay_start_2:
0xb8: {  	(tag) =	ssettag $0x2  }
0xb9: {  	s0 =	rddreg [dreg:$0x0];
	s2 =	stileid.u32  }
0xba: {  	s1 =	rddreg [dreg:$0x1];
	p0 =	sne.s32 s2, $0x0  }
0xbb: {  	s3 =	rddreg [dreg:$0x2];
	[bflag:$0x3] =	sbarrier.arrive $0xFFFF;
	s2 =	simm.s32 @!p0 $0x1C09  }
0xbc: {  	[timem:s3], [sflag:s2] =	dma.local @!p0 [hbm:s0], s1  }
0xbd: {  	s0 =	simm.s32 @!p0 $0x9  }
0xbe: {  	_ =	swait.ge @!p0 [sflag:s0], s1  }
0xbf: {  	s1 =	ssub.s32 @!p0 $0x0, s1;
	[sflag:s0] =	ssyncset.done @!p0 $0x0  }
0xc0: {  	[sflag:s0] =	ssyncadd.s32 @!p0 s1  }
0xc1: {  	[bflag:$0x3] =	sbarrier.arrive $0xFFFF  }
0xc2: {  	_ =	shalt  }

</sc_bundles>
